<compile_context>
chip_gen: v7x
topology: tpu7x:2x2x1
jax: 0.10.2.dev20260603
libtpu: 0.0.44.dev20260713+nightly
codegen_flags: <defaults>
</compile_context>

<pallas_src>
import functools

import jax
import jax.numpy as jnp
from jax import lax
from jax.experimental import pallas as pl
from jax.experimental.pallas import tpu as pltpu
from jax.experimental.pallas import tpu_sc as plsc

N = 10000
E = 320000
D = 128
NC = 2
NS = 16
NW = NC * NS
CH = 128
EPT = 10240
NCHUNK = EPT // CH
NHALF = 2
HC = NCHUNK // NHALF
HPAIR = HC // 2
NPAD = 10240
RPT = NPAD // NS


def _sc_segment_sum(nodes, send_r, recv_r, za, zc, ones):
    mesh = plsc.VectorSubcoreMesh(core_axis_name="c", subcore_axis_name="s")

    @functools.partial(
        pl.kernel,
        out_type=[
            jax.ShapeDtypeStruct((NC, NPAD, D), jnp.float32),
            jax.ShapeDtypeStruct((NC, NPAD), jnp.float32),
        ],
        mesh=mesh,
        scratch_types=[
            pltpu.VMEM((HC, CH), jnp.int32),
            pltpu.VMEM((HC, CH), jnp.int32),
            pltpu.VMEM((CH, D), jnp.float32),
            pltpu.VMEM((CH, D), jnp.float32),
            pltpu.VMEM((CH,), jnp.float32),
            pltpu.VMEM_SHARED((NPAD, D), jnp.float32),
            pltpu.VMEM_SHARED((NPAD,), jnp.float32),
            pltpu.SemaphoreType.DMA,
            pltpu.SemaphoreType.DMA,
            pltpu.SemaphoreType.DMA,
        ],
    )
    def k(nodes_h, send_h, recv_h, za_h, zc_h, ones_h,
          a_out, c_out, sidx, ridx, rows0, rows1, onesv, a_sp, c_sp,
          sem0, sem1, semc):
        c = lax.axis_index("c")
        s = lax.axis_index("s")
        w = c * NS + s

        pltpu.sync_copy(za_h.at[pl.ds(s * RPT, RPT)], a_sp.at[pl.ds(s * RPT, RPT)])

        @pl.when(s == 0)
        def _():
            pltpu.sync_copy(zc_h, c_sp)

        pltpu.sync_copy(ones_h, onesv)
        plsc.subcore_barrier()

        def half(h, carry):
            pltpu.sync_copy(send_h.at[w, pl.ds(h * HC, HC)], sidx)
            pltpu.sync_copy(recv_h.at[w, pl.ds(h * HC, HC)], ridx)
            pltpu.async_copy(nodes_h.at[sidx.at[0]], rows0, sem0)

            def step(i, carry2):
                j0 = 2 * i
                j1 = j0 + 1
                pltpu.async_copy(nodes_h.at[sidx.at[j1]], rows1, sem1)
                pltpu.make_async_copy(nodes_h.at[sidx.at[j0]], rows0, sem0).wait()
                pltpu.sync_copy(rows0, a_sp.at[ridx.at[j0]], add=True)

                @pl.when(i < HPAIR - 1)
                def _():
                    pltpu.async_copy(nodes_h.at[sidx.at[j1 + 1]], rows0, sem0)

                pltpu.async_copy(onesv, c_sp.at[ridx.at[j0]], semc, add=True)
                pltpu.make_async_copy(nodes_h.at[sidx.at[j1]], rows1, sem1).wait()
                pltpu.sync_copy(rows1, a_sp.at[ridx.at[j1]], add=True)
                pltpu.async_copy(onesv, c_sp.at[ridx.at[j1]], semc, add=True)
                return carry2

            lax.fori_loop(0, HPAIR, step, 0)
            return carry

        lax.fori_loop(0, NHALF, half, 0)

        def drain(i, carry):
            pltpu.make_async_copy(onesv, c_sp.at[ridx.at[0]], semc).wait()
            return carry

        lax.fori_loop(0, NCHUNK, drain, 0)
        plsc.subcore_barrier()

        pltpu.sync_copy(a_sp.at[pl.ds(s * RPT, RPT)], a_out.at[c, pl.ds(s * RPT, RPT)])

        @pl.when(s == 0)
        def _():
            pltpu.sync_copy(c_sp, c_out.at[c])

    return k(nodes, send_r, recv_r, za, zc, ones)


def _tc_body(a_ref, c_ref, w_ref, b_ref, o_ref):
    a = a_ref[0] + a_ref[1]
    ct = c_ref[0] + c_ref[1]
    o_ref[...] = (
        jnp.dot(a, w_ref[...], preferred_element_type=jnp.float32)
        + ct * b_ref[...]
    )


def _tc_finish(a_parts, c_parts, W, b):
    BR = 400
    grid = (N // BR,)
    return pl.pallas_call(
        _tc_body,
        grid=grid,
        in_specs=[
            pl.BlockSpec((NC, BR, D), lambda i: (0, i, 0)),
            pl.BlockSpec((NC, BR, 1), lambda i: (0, i, 0)),
            pl.BlockSpec((D, D), lambda i: (0, 0)),
            pl.BlockSpec((1, D), lambda i: (0, 0)),
        ],
        out_specs=pl.BlockSpec((BR, D), lambda i: (i, 0)),
        out_shape=jax.ShapeDtypeStruct((N, D), jnp.float32),
    )(a_parts, c_parts.reshape(NC, NPAD, 1), W, b.reshape(1, D))


def kernel(nodes, senders, receivers, W_msg, b_msg):
    pad = NW * EPT - E
    send_r = jnp.concatenate(
        [senders, jnp.zeros((pad,), jnp.int32)]).reshape(NW, NCHUNK, CH)
    recv_r = jnp.concatenate(
        [receivers, jnp.full((pad,), N, jnp.int32)]).reshape(NW, NCHUNK, CH)
    za = jnp.zeros((NPAD, D), jnp.float32)
    zc = jnp.zeros((NPAD,), jnp.float32)
    ones = jnp.ones((CH,), jnp.float32)
    a_parts, c_parts = _sc_segment_sum(nodes, send_r, recv_r, za, zc, ones)
    return _tc_finish(a_parts, c_parts, W_msg, b_msg)

# --- scband reference (transcript-rebuilt; emitter-appended) ---
"""Pipeline reference for scband-general-conv-86277303042050 (READ-ONLY COPY).

The authoritative reference and input builder live on the scoring server;
editing this copy changes nothing except your own understanding.
"""

import jax, jax.numpy as jnp
import numpy as np

N_NODES = 10000
N_EDGES = 320000
D_FEAT = 128
OUT_CHANNELS = 128
HEADS = 1


def setup_inputs(seed: int = 0) -> dict:
    key = jax.random.key(seed)
    k1, k2, k3, k4, k5 = jax.random.split(key, 5)
    nodes = jax.random.normal(k1, (N_NODES, D_FEAT), dtype=jnp.float32)
    senders = jax.random.randint(k2, (N_EDGES,), 0, N_NODES, dtype=jnp.int32)
    receivers = jax.random.randint(k3, (N_EDGES,), 0, N_NODES, dtype=jnp.int32)
    # Parameters of hk.Linear(C * H, with_bias=True): linear_msg
    W_msg = jax.random.normal(k4, (D_FEAT, OUT_CHANNELS * HEADS), dtype=jnp.float32) / np.sqrt(D_FEAT)
    b_msg = jnp.zeros((OUT_CHANNELS * HEADS,), dtype=jnp.float32)
    return {"nodes": nodes, "senders": senders, "receivers": receivers, "W_msg": W_msg, "b_msg": b_msg}


def reference(nodes, senders, receivers, W_msg, b_msg):
    # GeneralConv with defaults: aggr='add', directed_msg=True, heads=1,
    # attention=False, skip_linear=False, l2_normalize=False, in_edge_channels=None
    num_nodes = nodes.shape[0]
    C = OUT_CHANNELS
    H = HEADS
    # gather sender features per edge
    sent_attributes = nodes[senders]
    # message: W1 * h_v  (directed_msg=True)
    x = sent_attributes @ W_msg + b_msg
    x = jnp.reshape(x, (-1, H, C))
    messages = x
    # aggregation 'add' -> segment_sum over receivers
    new_nodes = jax.ops.segment_sum(messages, receivers, num_segments=num_nodes)
    # mean over heads (H=1)
    new_nodes = jnp.mean(new_nodes, axis=1)
    return new_nodes

if __name__ == "__main__":
    import jax
    _d = setup_inputs()
    print(jax.jit(kernel)(*tuple(_d.values())))

</pallas_src>

<mosaic_0001>
#map = affine_map<(d0, d1) -> (0, 0)>
#map1 = affine_map<(d0, d1) -> (0, 0, 0)>
#map2 = affine_map<(d0, d1) -> (0)>
module attributes {stable_mosaic.version = 14 : i64} {
  func.func @k(%arg0: i32, %arg1: i32, %arg2: memref<10000x128xf32, #tpu.memory_space<hbm>>, %arg3: memref<32x80x128xi32, #tpu.memory_space<hbm>>, %arg4: memref<32x80x128xi32, #tpu.memory_space<hbm>>, %arg5: memref<10240x128xf32, #tpu.memory_space<hbm>>, %arg6: memref<10240xf32, #tpu.memory_space<hbm>>, %arg7: memref<128xf32, #tpu.memory_space<hbm>>, %arg8: memref<2x10240x128xf32, #tpu.memory_space<hbm>>, %arg9: memref<2x10240xf32, #tpu.memory_space<hbm>>, %arg10: memref<40x128xi32, #tpu.memory_space<vmem>>, %arg11: memref<40x128xi32, #tpu.memory_space<vmem>>, %arg12: memref<128x128xf32, #tpu.memory_space<vmem>>, %arg13: memref<128x128xf32, #tpu.memory_space<vmem>>, %arg14: memref<128xf32, #tpu.memory_space<vmem>>, %arg15: memref<10240x128xf32, #tpu.memory_space<vmem_shared>>, %arg16: memref<10240xf32, #tpu.memory_space<vmem_shared>>, %arg17: memref<!tpu.dma_semaphore, #tpu.memory_space<semaphore_mem>>, %arg18: memref<!tpu.dma_semaphore, #tpu.memory_space<semaphore_mem>>, %arg19: memref<!tpu.dma_semaphore, #tpu.memory_space<semaphore_mem>>) attributes {dimension_semantics = [#tpu.dimension_semantics<core_parallel>, #tpu.dimension_semantics<subcore_parallel>], iteration_bounds = array<i64: 2, 16>, scalar_prefetch = 0 : i64, scratch_operands = 10 : i64, tpu.core_type = #tpu.core_type<sc_vector_subcore>, window_params = [{transform_indices = #map}, {transform_indices = #map1}, {transform_indices = #map1}, {transform_indices = #map}, {transform_indices = #map2}, {transform_indices = #map2}, {transform_indices = #map1}, {transform_indices = #map}]} {
    %mul3A = arith.constant 16 : i32
    %mul3A_0 = arith.muli %arg0, %mul3A : i32
    %add3A = arith.addi %mul3A_0, %arg1 : i32
    %mul3A_1 = arith.constant 640 : i32
    %mul3A_2 = arith.muli %arg1, %mul3A_1 : i32
    %mul3A_3 = arith.constant 640 : i32
    %mul3A_4 = arith.muli %arg1, %mul3A_3 : i32
    "tpu.region"() ({
      %run_scoped3A = tpu.sem_alloc : memref<!tpu.dma_semaphore, #tpu.memory_space<semaphore_mem>>
      %dma_start3A = arith.constant 0 : i32
      %dma_start3A_28 = tpu.memref_slice %arg15[%mul3A_4, %dma_start3A] : memref<10240x128xf32, #tpu.memory_space<vmem_shared>> -> memref<640x128xf32, #tpu.memory_space<vmem_shared>>
      %dma_start3A_29 = arith.constant 0 : i32
      %dma_start3A_30 = tpu.memref_slice %arg5[%mul3A_2, %dma_start3A_29] : memref<10240x128xf32, #tpu.memory_space<hbm>> -> memref<640x128xf32, #tpu.memory_space<hbm>>
      tpu.enqueue_dma source(%dma_start3A_30 : memref<640x128xf32, #tpu.memory_space<hbm>>) target(%dma_start3A_28 : memref<640x128xf32, #tpu.memory_space<vmem_shared>>) target_semaphore(%run_scoped3A : memref<!tpu.dma_semaphore, #tpu.memory_space<semaphore_mem>>)
      %dma_wait3A = arith.constant 0 : i32
      %dma_wait3A_31 = tpu.memref_slice %arg15[%mul3A_4, %dma_wait3A] : memref<10240x128xf32, #tpu.memory_space<vmem_shared>> -> memref<640x128xf32, #tpu.memory_space<vmem_shared>>
      %dma_wait3A_32 = arith.constant 0 : i32
      %dma_wait3A_33 = tpu.memref_slice %arg5[%mul3A_2, %dma_wait3A_32] : memref<10240x128xf32, #tpu.memory_space<hbm>> -> memref<640x128xf32, #tpu.memory_space<hbm>>
      tpu.wait_dma2 semaphore(%run_scoped3A : memref<!tpu.dma_semaphore, #tpu.memory_space<semaphore_mem>>) src(%dma_wait3A_33 : memref<640x128xf32, #tpu.memory_space<hbm>>) dst(%dma_wait3A_31 : memref<640x128xf32, #tpu.memory_space<vmem_shared>>)
      tpu.yield
    }) : () -> ()
    %eq3A = arith.constant 0 : i32
    %eq3A_5 = arith.cmpi eq, %arg1, %eq3A : i32
    %convert_element_type3A = arith.extui %eq3A_5 : i1 to i32
    %cond3A = arith.constant 0 : i32
    %cond3A_6 = arith.cmpi ne, %convert_element_type3A, %cond3A : i32
    scf.if %cond3A_6 {
      "tpu.region"() ({
        %run_scoped3A = tpu.sem_alloc : memref<!tpu.dma_semaphore, #tpu.memory_space<semaphore_mem>>
        tpu.enqueue_dma source(%arg6 : memref<10240xf32, #tpu.memory_space<hbm>>) target(%arg16 : memref<10240xf32, #tpu.memory_space<vmem_shared>>) target_semaphore(%run_scoped3A : memref<!tpu.dma_semaphore, #tpu.memory_space<semaphore_mem>>)
        tpu.wait_dma2 semaphore(%run_scoped3A : memref<!tpu.dma_semaphore, #tpu.memory_space<semaphore_mem>>) src(%arg6 : memref<10240xf32, #tpu.memory_space<hbm>>) dst(%arg16 : memref<10240xf32, #tpu.memory_space<vmem_shared>>)
        tpu.yield
      }) : () -> ()
    } else {
    }
    "tpu.region"() ({
      %run_scoped3A = tpu.sem_alloc : memref<!tpu.dma_semaphore, #tpu.memory_space<semaphore_mem>>
      tpu.enqueue_dma source(%arg7 : memref<128xf32, #tpu.memory_space<hbm>>) target(%arg14 : memref<128xf32, #tpu.memory_space<vmem>>) target_semaphore(%run_scoped3A : memref<!tpu.dma_semaphore, #tpu.memory_space<semaphore_mem>>)
      tpu.wait_dma2 semaphore(%run_scoped3A : memref<!tpu.dma_semaphore, #tpu.memory_space<semaphore_mem>>) src(%arg7 : memref<128xf32, #tpu.memory_space<hbm>>) dst(%arg14 : memref<128xf32, #tpu.memory_space<vmem>>)
      tpu.yield
    }) : () -> ()
    %barrier3A = arith.constant 0 : index
    tpu.barrier barrier_id(%barrier3A)
    %scan3A = arith.constant 0 : i32
    %scan3A_7 = arith.constant 0 : i32
    %scan3A_8 = arith.constant 2 : i32
    %scan3A_9 = arith.addi %scan3A_7, %scan3A_8 : i32
    %scan3A_10 = arith.constant 1 : i32
    scf.for %scan3A_28 = %scan3A_7 to %scan3A_9 step %scan3A_10  : i32 {
      %mul3A_29 = arith.constant 40 : i32
      %mul3A_30 = arith.muli %scan3A_28, %mul3A_29 : i32
      "tpu.region"() ({
        %run_scoped3A = tpu.sem_alloc : memref<!tpu.dma_semaphore, #tpu.memory_space<semaphore_mem>>
        %dma_start3A_45 = arith.constant 0 : i32
        %dma_start3A_46 = tpu.memref_slice %arg3[%add3A, %mul3A_30, %dma_start3A_45] : memref<32x80x128xi32, #tpu.memory_space<hbm>> -> memref<1x40x128xi32, #tpu.memory_space<hbm>>
        %dma_start3A_47 = tpu.memref_squeeze %dma_start3A_46 : memref<1x40x128xi32, #tpu.memory_space<hbm>> -> memref<40x128xi32, #tpu.memory_space<hbm>>
        %dma_start3A_48 = arith.constant 0 : i32
        %dma_start3A_49 = tpu.memref_slice %arg3[%add3A, %mul3A_30, %dma_start3A_48] : memref<32x80x128xi32, #tpu.memory_space<hbm>> -> memref<1x40x128xi32, #tpu.memory_space<hbm>>
        %dma_start3A_50 = tpu.memref_squeeze %dma_start3A_49 : memref<1x40x128xi32, #tpu.memory_space<hbm>> -> memref<40x128xi32, #tpu.memory_space<hbm>>
        tpu.enqueue_dma source(%dma_start3A_50 : memref<40x128xi32, #tpu.memory_space<hbm>>) target(%arg10 : memref<40x128xi32, #tpu.memory_space<vmem>>) target_semaphore(%run_scoped3A : memref<!tpu.dma_semaphore, #tpu.memory_space<semaphore_mem>>)
        %dma_wait3A = arith.constant 0 : i32
        %dma_wait3A_51 = tpu.memref_slice %arg3[%add3A, %mul3A_30, %dma_wait3A] : memref<32x80x128xi32, #tpu.memory_space<hbm>> -> memref<1x40x128xi32, #tpu.memory_space<hbm>>
        %dma_wait3A_52 = tpu.memref_squeeze %dma_wait3A_51 : memref<1x40x128xi32, #tpu.memory_space<hbm>> -> memref<40x128xi32, #tpu.memory_space<hbm>>
        %dma_wait3A_53 = arith.constant 0 : i32
        %dma_wait3A_54 = tpu.memref_slice %arg3[%add3A, %mul3A_30, %dma_wait3A_53] : memref<32x80x128xi32, #tpu.memory_space<hbm>> -> memref<1x40x128xi32, #tpu.memory_space<hbm>>
        %dma_wait3A_55 = tpu.memref_squeeze %dma_wait3A_54 : memref<1x40x128xi32, #tpu.memory_space<hbm>> -> memref<40x128xi32, #tpu.memory_space<hbm>>
        tpu.wait_dma2 semaphore(%run_scoped3A : memref<!tpu.dma_semaphore, #tpu.memory_space<semaphore_mem>>) src(%dma_wait3A_55 : memref<40x128xi32, #tpu.memory_space<hbm>>) dst(%arg10 : memref<40x128xi32, #tpu.memory_space<vmem>>)
        tpu.yield
      }) : () -> ()
      %mul3A_31 = arith.constant 40 : i32
      %mul3A_32 = arith.muli %scan3A_28, %mul3A_31 : i32
      "tpu.region"() ({
        %run_scoped3A = tpu.sem_alloc : memref<!tpu.dma_semaphore, #tpu.memory_space<semaphore_mem>>
        %dma_start3A_45 = arith.constant 0 : i32
        %dma_start3A_46 = tpu.memref_slice %arg4[%add3A, %mul3A_32, %dma_start3A_45] : memref<32x80x128xi32, #tpu.memory_space<hbm>> -> memref<1x40x128xi32, #tpu.memory_space<hbm>>
        %dma_start3A_47 = tpu.memref_squeeze %dma_start3A_46 : memref<1x40x128xi32, #tpu.memory_space<hbm>> -> memref<40x128xi32, #tpu.memory_space<hbm>>
        %dma_start3A_48 = arith.constant 0 : i32
        %dma_start3A_49 = tpu.memref_slice %arg4[%add3A, %mul3A_32, %dma_start3A_48] : memref<32x80x128xi32, #tpu.memory_space<hbm>> -> memref<1x40x128xi32, #tpu.memory_space<hbm>>
        %dma_start3A_50 = tpu.memref_squeeze %dma_start3A_49 : memref<1x40x128xi32, #tpu.memory_space<hbm>> -> memref<40x128xi32, #tpu.memory_space<hbm>>
        tpu.enqueue_dma source(%dma_start3A_50 : memref<40x128xi32, #tpu.memory_space<hbm>>) target(%arg11 : memref<40x128xi32, #tpu.memory_space<vmem>>) target_semaphore(%run_scoped3A : memref<!tpu.dma_semaphore, #tpu.memory_space<semaphore_mem>>)
        %dma_wait3A = arith.constant 0 : i32
        %dma_wait3A_51 = tpu.memref_slice %arg4[%add3A, %mul3A_32, %dma_wait3A] : memref<32x80x128xi32, #tpu.memory_space<hbm>> -> memref<1x40x128xi32, #tpu.memory_space<hbm>>
        %dma_wait3A_52 = tpu.memref_squeeze %dma_wait3A_51 : memref<1x40x128xi32, #tpu.memory_space<hbm>> -> memref<40x128xi32, #tpu.memory_space<hbm>>
        %dma_wait3A_53 = arith.constant 0 : i32
        %dma_wait3A_54 = tpu.memref_slice %arg4[%add3A, %mul3A_32, %dma_wait3A_53] : memref<32x80x128xi32, #tpu.memory_space<hbm>> -> memref<1x40x128xi32, #tpu.memory_space<hbm>>
        %dma_wait3A_55 = tpu.memref_squeeze %dma_wait3A_54 : memref<1x40x128xi32, #tpu.memory_space<hbm>> -> memref<40x128xi32, #tpu.memory_space<hbm>>
        tpu.wait_dma2 semaphore(%run_scoped3A : memref<!tpu.dma_semaphore, #tpu.memory_space<semaphore_mem>>) src(%dma_wait3A_55 : memref<40x128xi32, #tpu.memory_space<hbm>>) dst(%arg11 : memref<40x128xi32, #tpu.memory_space<vmem>>)
        tpu.yield
      }) : () -> ()
      %dma_start3A = arith.constant 0 : i32
      %dma_start3A_33 = arith.constant 0 : i32
      %dma_start3A_34 = tpu.memref_slice %arg10[%dma_start3A, %dma_start3A_33] : memref<40x128xi32, #tpu.memory_space<vmem>> -> memref<1x128xi32, #tpu.memory_space<vmem>>
      %dma_start3A_35 = tpu.memref_squeeze %dma_start3A_34 : memref<1x128xi32, #tpu.memory_space<vmem>> -> memref<128xi32, #tpu.memory_space<vmem>>
      %dma_start3A_36 = arith.constant 0 : i32
      %dma_start3A_37 = arith.constant 0 : i32
      %dma_start3A_38 = tpu.memref_slice %arg2[%dma_start3A_36, %dma_start3A_37] : memref<10000x128xf32, #tpu.memory_space<hbm>> -> memref<10000x128xf32, #tpu.memory_space<hbm>>
      tpu.enqueue_indirect_dma source(%dma_start3A_38 : memref<10000x128xf32, #tpu.memory_space<hbm>>) target(%arg12 : memref<128x128xf32, #tpu.memory_space<vmem>>) offsets(%dma_start3A_35 : memref<128xi32, #tpu.memory_space<vmem>>) semaphore(%arg17 : memref<!tpu.dma_semaphore, #tpu.memory_space<semaphore_mem>>)
      %scan3A_39 = arith.constant 0 : i32
      %scan3A_40 = arith.constant 0 : i32
      %scan3A_41 = arith.constant 20 : i32
      %scan3A_42 = arith.addi %scan3A_40, %scan3A_41 : i32
      %scan3A_43 = arith.constant 1 : i32
      scf.for %scan3A_45 = %scan3A_40 to %scan3A_42 step %scan3A_43  : i32 {
        %mul3A_46 = arith.constant 2 : i32
        %mul3A_47 = arith.muli %mul3A_46, %scan3A_45 : i32
        %add3A_48 = arith.constant 1 : i32
        %add3A_49 = arith.addi %mul3A_47, %add3A_48 : i32
        %dma_start3A_50 = arith.constant 0 : i32
        %dma_start3A_51 = tpu.memref_slice %arg10[%add3A_49, %dma_start3A_50] : memref<40x128xi32, #tpu.memory_space<vmem>> -> memref<1x128xi32, #tpu.memory_space<vmem>>
        %dma_start3A_52 = tpu.memref_squeeze %dma_start3A_51 : memref<1x128xi32, #tpu.memory_space<vmem>> -> memref<128xi32, #tpu.memory_space<vmem>>
        %dma_start3A_53 = arith.constant 0 : i32
        %dma_start3A_54 = arith.constant 0 : i32
        %dma_start3A_55 = tpu.memref_slice %arg2[%dma_start3A_53, %dma_start3A_54] : memref<10000x128xf32, #tpu.memory_space<hbm>> -> memref<10000x128xf32, #tpu.memory_space<hbm>>
        tpu.enqueue_indirect_dma source(%dma_start3A_55 : memref<10000x128xf32, #tpu.memory_space<hbm>>) target(%arg13 : memref<128x128xf32, #tpu.memory_space<vmem>>) offsets(%dma_start3A_52 : memref<128xi32, #tpu.memory_space<vmem>>) semaphore(%arg18 : memref<!tpu.dma_semaphore, #tpu.memory_space<semaphore_mem>>)
        %dma_wait3A = arith.constant 0 : i32
        %dma_wait3A_56 = tpu.memref_slice %arg10[%mul3A_47, %dma_wait3A] : memref<40x128xi32, #tpu.memory_space<vmem>> -> memref<1x128xi32, #tpu.memory_space<vmem>>
        %dma_wait3A_57 = tpu.memref_squeeze %dma_wait3A_56 : memref<1x128xi32, #tpu.memory_space<vmem>> -> memref<128xi32, #tpu.memory_space<vmem>>
        %dma_wait3A_58 = arith.constant 0 : i32
        %dma_wait3A_59 = arith.constant 0 : i32
        %dma_wait3A_60 = tpu.memref_slice %arg2[%dma_wait3A_58, %dma_wait3A_59] : memref<10000x128xf32, #tpu.memory_space<hbm>> -> memref<10000x128xf32, #tpu.memory_space<hbm>>
        tpu.wait_indirect_dma semaphore(%arg17 : memref<!tpu.dma_semaphore, #tpu.memory_space<semaphore_mem>>) src(%dma_wait3A_60 : memref<10000x128xf32, #tpu.memory_space<hbm>>) dst(%arg12 : memref<128x128xf32, #tpu.memory_space<vmem>>)
        "tpu.region"() ({
          %run_scoped3A = tpu.sem_alloc : memref<!tpu.dma_semaphore, #tpu.memory_space<semaphore_mem>>
          %dma_start3A_81 = arith.constant 0 : i32
          %dma_start3A_82 = tpu.memref_slice %arg11[%mul3A_47, %dma_start3A_81] : memref<40x128xi32, #tpu.memory_space<vmem>> -> memref<1x128xi32, #tpu.memory_space<vmem>>
          %dma_start3A_83 = tpu.memref_squeeze %dma_start3A_82 : memref<1x128xi32, #tpu.memory_space<vmem>> -> memref<128xi32, #tpu.memory_space<vmem>>
          %dma_start3A_84 = arith.constant 0 : i32
          %dma_start3A_85 = arith.constant 0 : i32
          %dma_start3A_86 = tpu.memref_slice %arg15[%dma_start3A_84, %dma_start3A_85] : memref<10240x128xf32, #tpu.memory_space<vmem_shared>> -> memref<10240x128xf32, #tpu.memory_space<vmem_shared>>
          tpu.enqueue_indirect_dma source(%arg12 : memref<128x128xf32, #tpu.memory_space<vmem>>) target(%dma_start3A_86 : memref<10240x128xf32, #tpu.memory_space<vmem_shared>>) offsets(%dma_start3A_83 : memref<128xi32, #tpu.memory_space<vmem>>) semaphore(%run_scoped3A : memref<!tpu.dma_semaphore, #tpu.memory_space<semaphore_mem>>) {add = true}
          %dma_wait3A_87 = arith.constant 0 : i32
          %dma_wait3A_88 = tpu.memref_slice %arg11[%mul3A_47, %dma_wait3A_87] : memref<40x128xi32, #tpu.memory_space<vmem>> -> memref<1x128xi32, #tpu.memory_space<vmem>>
          %dma_wait3A_89 = tpu.memref_squeeze %dma_wait3A_88 : memref<1x128xi32, #tpu.memory_space<vmem>> -> memref<128xi32, #tpu.memory_space<vmem>>
          %dma_wait3A_90 = arith.constant 0 : i32
          %dma_wait3A_91 = arith.constant 0 : i32
          %dma_wait3A_92 = tpu.memref_slice %arg15[%dma_wait3A_90, %dma_wait3A_91] : memref<10240x128xf32, #tpu.memory_space<vmem_shared>> -> memref<10240x128xf32, #tpu.memory_space<vmem_shared>>
          tpu.wait_indirect_dma semaphore(%run_scoped3A : memref<!tpu.dma_semaphore, #tpu.memory_space<semaphore_mem>>) src(%arg12 : memref<128x128xf32, #tpu.memory_space<vmem>>) dst(%dma_wait3A_92 : memref<10240x128xf32, #tpu.memory_space<vmem_shared>>)
          tpu.yield
        }) : () -> ()
        %lt3A = arith.constant 19 : i32
        %lt3A_61 = arith.cmpi slt, %scan3A_45, %lt3A : i32
        %convert_element_type3A_62 = arith.extui %lt3A_61 : i1 to i32
        %cond3A_63 = arith.constant 0 : i32
        %cond3A_64 = arith.cmpi ne, %convert_element_type3A_62, %cond3A_63 : i32
        scf.if %cond3A_64 {
          %add3A_81 = arith.constant 1 : i32
          %add3A_82 = arith.addi %add3A_49, %add3A_81 : i32
          %dma_start3A_83 = arith.constant 0 : i32
          %dma_start3A_84 = tpu.memref_slice %arg10[%add3A_82, %dma_start3A_83] : memref<40x128xi32, #tpu.memory_space<vmem>> -> memref<1x128xi32, #tpu.memory_space<vmem>>
          %dma_start3A_85 = tpu.memref_squeeze %dma_start3A_84 : memref<1x128xi32, #tpu.memory_space<vmem>> -> memref<128xi32, #tpu.memory_space<vmem>>
          %dma_start3A_86 = arith.constant 0 : i32
          %dma_start3A_87 = arith.constant 0 : i32
          %dma_start3A_88 = tpu.memref_slice %arg2[%dma_start3A_86, %dma_start3A_87] : memref<10000x128xf32, #tpu.memory_space<hbm>> -> memref<10000x128xf32, #tpu.memory_space<hbm>>
          tpu.enqueue_indirect_dma source(%dma_start3A_88 : memref<10000x128xf32, #tpu.memory_space<hbm>>) target(%arg12 : memref<128x128xf32, #tpu.memory_space<vmem>>) offsets(%dma_start3A_85 : memref<128xi32, #tpu.memory_space<vmem>>) semaphore(%arg17 : memref<!tpu.dma_semaphore, #tpu.memory_space<semaphore_mem>>)
        } else {
        }
        %dma_start3A_65 = arith.constant 0 : i32
        %dma_start3A_66 = tpu.memref_slice %arg11[%mul3A_47, %dma_start3A_65] : memref<40x128xi32, #tpu.memory_space<vmem>> -> memref<1x128xi32, #tpu.memory_space<vmem>>
        %dma_start3A_67 = tpu.memref_squeeze %dma_start3A_66 : memref<1x128xi32, #tpu.memory_space<vmem>> -> memref<128xi32, #tpu.memory_space<vmem>>
        %dma_start3A_68 = arith.constant 0 : i32
        %dma_start3A_69 = tpu.memref_slice %arg16[%dma_start3A_68] : memref<10240xf32, #tpu.memory_space<vmem_shared>> -> memref<10240xf32, #tpu.memory_space<vmem_shared>>
        tpu.enqueue_indirect_dma source(%arg14 : memref<128xf32, #tpu.memory_space<vmem>>) target(%dma_start3A_69 : memref<10240xf32, #tpu.memory_space<vmem_shared>>) offsets(%dma_start3A_67 : memref<128xi32, #tpu.memory_space<vmem>>) semaphore(%arg19 : memref<!tpu.dma_semaphore, #tpu.memory_space<semaphore_mem>>) {add = true}
        %dma_wait3A_70 = arith.constant 0 : i32
        %dma_wait3A_71 = tpu.memref_slice %arg10[%add3A_49, %dma_wait3A_70] : memref<40x128xi32, #tpu.memory_space<vmem>> -> memref<1x128xi32, #tpu.memory_space<vmem>>
        %dma_wait3A_72 = tpu.memref_squeeze %dma_wait3A_71 : memref<1x128xi32, #tpu.memory_space<vmem>> -> memref<128xi32, #tpu.memory_space<vmem>>
        %dma_wait3A_73 = arith.constant 0 : i32
        %dma_wait3A_74 = arith.constant 0 : i32
        %dma_wait3A_75 = tpu.memref_slice %arg2[%dma_wait3A_73, %dma_wait3A_74] : memref<10000x128xf32, #tpu.memory_space<hbm>> -> memref<10000x128xf32, #tpu.memory_space<hbm>>
        tpu.wait_indirect_dma semaphore(%arg18 : memref<!tpu.dma_semaphore, #tpu.memory_space<semaphore_mem>>) src(%dma_wait3A_75 : memref<10000x128xf32, #tpu.memory_space<hbm>>) dst(%arg13 : memref<128x128xf32, #tpu.memory_space<vmem>>)
        "tpu.region"() ({
          %run_scoped3A = tpu.sem_alloc : memref<!tpu.dma_semaphore, #tpu.memory_space<semaphore_mem>>
          %dma_start3A_81 = arith.constant 0 : i32
          %dma_start3A_82 = tpu.memref_slice %arg11[%add3A_49, %dma_start3A_81] : memref<40x128xi32, #tpu.memory_space<vmem>> -> memref<1x128xi32, #tpu.memory_space<vmem>>
          %dma_start3A_83 = tpu.memref_squeeze %dma_start3A_82 : memref<1x128xi32, #tpu.memory_space<vmem>> -> memref<128xi32, #tpu.memory_space<vmem>>
          %dma_start3A_84 = arith.constant 0 : i32
          %dma_start3A_85 = arith.constant 0 : i32
          %dma_start3A_86 = tpu.memref_slice %arg15[%dma_start3A_84, %dma_start3A_85] : memref<10240x128xf32, #tpu.memory_space<vmem_shared>> -> memref<10240x128xf32, #tpu.memory_space<vmem_shared>>
          tpu.enqueue_indirect_dma source(%arg13 : memref<128x128xf32, #tpu.memory_space<vmem>>) target(%dma_start3A_86 : memref<10240x128xf32, #tpu.memory_space<vmem_shared>>) offsets(%dma_start3A_83 : memref<128xi32, #tpu.memory_space<vmem>>) semaphore(%run_scoped3A : memref<!tpu.dma_semaphore, #tpu.memory_space<semaphore_mem>>) {add = true}
          %dma_wait3A_87 = arith.constant 0 : i32
          %dma_wait3A_88 = tpu.memref_slice %arg11[%add3A_49, %dma_wait3A_87] : memref<40x128xi32, #tpu.memory_space<vmem>> -> memref<1x128xi32, #tpu.memory_space<vmem>>
          %dma_wait3A_89 = tpu.memref_squeeze %dma_wait3A_88 : memref<1x128xi32, #tpu.memory_space<vmem>> -> memref<128xi32, #tpu.memory_space<vmem>>
          %dma_wait3A_90 = arith.constant 0 : i32
          %dma_wait3A_91 = arith.constant 0 : i32
          %dma_wait3A_92 = tpu.memref_slice %arg15[%dma_wait3A_90, %dma_wait3A_91] : memref<10240x128xf32, #tpu.memory_space<vmem_shared>> -> memref<10240x128xf32, #tpu.memory_space<vmem_shared>>
          tpu.wait_indirect_dma semaphore(%run_scoped3A : memref<!tpu.dma_semaphore, #tpu.memory_space<semaphore_mem>>) src(%arg13 : memref<128x128xf32, #tpu.memory_space<vmem>>) dst(%dma_wait3A_92 : memref<10240x128xf32, #tpu.memory_space<vmem_shared>>)
          tpu.yield
        }) : () -> ()
        %dma_start3A_76 = arith.constant 0 : i32
        %dma_start3A_77 = tpu.memref_slice %arg11[%add3A_49, %dma_start3A_76] : memref<40x128xi32, #tpu.memory_space<vmem>> -> memref<1x128xi32, #tpu.memory_space<vmem>>
        %dma_start3A_78 = tpu.memref_squeeze %dma_start3A_77 : memref<1x128xi32, #tpu.memory_space<vmem>> -> memref<128xi32, #tpu.memory_space<vmem>>
        %dma_start3A_79 = arith.constant 0 : i32
        %dma_start3A_80 = tpu.memref_slice %arg16[%dma_start3A_79] : memref<10240xf32, #tpu.memory_space<vmem_shared>> -> memref<10240xf32, #tpu.memory_space<vmem_shared>>
        tpu.enqueue_indirect_dma source(%arg14 : memref<128xf32, #tpu.memory_space<vmem>>) target(%dma_start3A_80 : memref<10240xf32, #tpu.memory_space<vmem_shared>>) offsets(%dma_start3A_78 : memref<128xi32, #tpu.memory_space<vmem>>) semaphore(%arg19 : memref<!tpu.dma_semaphore, #tpu.memory_space<semaphore_mem>>) {add = true}
      }
      %scan3A_44 = arith.constant 20 : i32
    }
    %scan3A_11 = arith.constant 2 : i32
    %scan3A_12 = arith.constant 0 : i32
    %scan3A_13 = arith.constant 0 : i32
    %scan3A_14 = arith.constant 80 : i32
    %scan3A_15 = arith.addi %scan3A_13, %scan3A_14 : i32
    %scan3A_16 = arith.constant 1 : i32
    scf.for %scan3A_28 = %scan3A_13 to %scan3A_15 step %scan3A_16  : i32 {
      %dma_wait3A = arith.constant 0 : i32
      %dma_wait3A_29 = arith.constant 0 : i32
      %dma_wait3A_30 = tpu.memref_slice %arg11[%dma_wait3A, %dma_wait3A_29] : memref<40x128xi32, #tpu.memory_space<vmem>> -> memref<1x128xi32, #tpu.memory_space<vmem>>
      %dma_wait3A_31 = tpu.memref_squeeze %dma_wait3A_30 : memref<1x128xi32, #tpu.memory_space<vmem>> -> memref<128xi32, #tpu.memory_space<vmem>>
      %dma_wait3A_32 = arith.constant 0 : i32
      %dma_wait3A_33 = tpu.memref_slice %arg16[%dma_wait3A_32] : memref<10240xf32, #tpu.memory_space<vmem_shared>> -> memref<10240xf32, #tpu.memory_space<vmem_shared>>
      tpu.wait_indirect_dma semaphore(%arg19 : memref<!tpu.dma_semaphore, #tpu.memory_space<semaphore_mem>>) src(%arg14 : memref<128xf32, #tpu.memory_space<vmem>>) dst(%dma_wait3A_33 : memref<10240xf32, #tpu.memory_space<vmem_shared>>)
    }
    %scan3A_17 = arith.constant 80 : i32
    %barrier3A_18 = arith.constant 0 : index
    tpu.barrier barrier_id(%barrier3A_18)
    %mul3A_19 = arith.constant 640 : i32
    %mul3A_20 = arith.muli %arg1, %mul3A_19 : i32
    %mul3A_21 = arith.constant 640 : i32
    %mul3A_22 = arith.muli %arg1, %mul3A_21 : i32
    "tpu.region"() ({
      %run_scoped3A = tpu.sem_alloc : memref<!tpu.dma_semaphore, #tpu.memory_space<semaphore_mem>>
      %dma_start3A = arith.constant 0 : i32
      %dma_start3A_28 = tpu.memref_slice %arg8[%arg0, %mul3A_22, %dma_start3A] : memref<2x10240x128xf32, #tpu.memory_space<hbm>> -> memref<1x640x128xf32, #tpu.memory_space<hbm>>
      %dma_start3A_29 = tpu.memref_squeeze %dma_start3A_28 : memref<1x640x128xf32, #tpu.memory_space<hbm>> -> memref<640x128xf32, #tpu.memory_space<hbm>>
      %dma_start3A_30 = arith.constant 0 : i32
      %dma_start3A_31 = tpu.memref_slice %arg15[%mul3A_20, %dma_start3A_30] : memref<10240x128xf32, #tpu.memory_space<vmem_shared>> -> memref<640x128xf32, #tpu.memory_space<vmem_shared>>
      tpu.enqueue_dma source(%dma_start3A_31 : memref<640x128xf32, #tpu.memory_space<vmem_shared>>) target(%dma_start3A_29 : memref<640x128xf32, #tpu.memory_space<hbm>>) target_semaphore(%run_scoped3A : memref<!tpu.dma_semaphore, #tpu.memory_space<semaphore_mem>>)
      %dma_wait3A = arith.constant 0 : i32
      %dma_wait3A_32 = tpu.memref_slice %arg8[%arg0, %mul3A_22, %dma_wait3A] : memref<2x10240x128xf32, #tpu.memory_space<hbm>> -> memref<1x640x128xf32, #tpu.memory_space<hbm>>
      %dma_wait3A_33 = tpu.memref_squeeze %dma_wait3A_32 : memref<1x640x128xf32, #tpu.memory_space<hbm>> -> memref<640x128xf32, #tpu.memory_space<hbm>>
      %dma_wait3A_34 = arith.constant 0 : i32
      %dma_wait3A_35 = tpu.memref_slice %arg15[%mul3A_20, %dma_wait3A_34] : memref<10240x128xf32, #tpu.memory_space<vmem_shared>> -> memref<640x128xf32, #tpu.memory_space<vmem_shared>>
      tpu.wait_dma2 semaphore(%run_scoped3A : memref<!tpu.dma_semaphore, #tpu.memory_space<semaphore_mem>>) src(%dma_wait3A_35 : memref<640x128xf32, #tpu.memory_space<vmem_shared>>) dst(%dma_wait3A_33 : memref<640x128xf32, #tpu.memory_space<hbm>>)
      tpu.yield
    }) : () -> ()
    %eq3A_23 = arith.constant 0 : i32
    %eq3A_24 = arith.cmpi eq, %arg1, %eq3A_23 : i32
    %convert_element_type3A_25 = arith.extui %eq3A_24 : i1 to i32
    %cond3A_26 = arith.constant 0 : i32
    %cond3A_27 = arith.cmpi ne, %convert_element_type3A_25, %cond3A_26 : i32
    scf.if %cond3A_27 {
      "tpu.region"() ({
        %run_scoped3A = tpu.sem_alloc : memref<!tpu.dma_semaphore, #tpu.memory_space<semaphore_mem>>
        %dma_start3A = arith.constant 0 : i32
        %dma_start3A_28 = tpu.memref_slice %arg9[%arg0, %dma_start3A] : memref<2x10240xf32, #tpu.memory_space<hbm>> -> memref<1x10240xf32, #tpu.memory_space<hbm>>
        %dma_start3A_29 = tpu.memref_squeeze %dma_start3A_28 : memref<1x10240xf32, #tpu.memory_space<hbm>> -> memref<10240xf32, #tpu.memory_space<hbm>>
        tpu.enqueue_dma source(%arg16 : memref<10240xf32, #tpu.memory_space<vmem_shared>>) target(%dma_start3A_29 : memref<10240xf32, #tpu.memory_space<hbm>>) target_semaphore(%run_scoped3A : memref<!tpu.dma_semaphore, #tpu.memory_space<semaphore_mem>>)
        %dma_wait3A = arith.constant 0 : i32
        %dma_wait3A_30 = tpu.memref_slice %arg9[%arg0, %dma_wait3A] : memref<2x10240xf32, #tpu.memory_space<hbm>> -> memref<1x10240xf32, #tpu.memory_space<hbm>>
        %dma_wait3A_31 = tpu.memref_squeeze %dma_wait3A_30 : memref<1x10240xf32, #tpu.memory_space<hbm>> -> memref<10240xf32, #tpu.memory_space<hbm>>
        tpu.wait_dma2 semaphore(%run_scoped3A : memref<!tpu.dma_semaphore, #tpu.memory_space<semaphore_mem>>) src(%arg16 : memref<10240xf32, #tpu.memory_space<vmem_shared>>) dst(%dma_wait3A_31 : memref<10240xf32, #tpu.memory_space<hbm>>)
        tpu.yield
      }) : () -> ()
    } else {
    }
    return
  }
}

module attributes {stable_mosaic.version = 14 : i64} {
  func.func @_tc_body(%arg0: i32, %arg1: memref<2x400x128xf32, #tpu.memory_space<vmem>>, %arg2: memref<2x400x1xf32, #tpu.memory_space<vmem>>, %arg3: memref<128x128xf32, #tpu.memory_space<vmem>>, %arg4: memref<1x128xf32, #tpu.memory_space<vmem>>, %arg5: memref<400x128xf32, #tpu.memory_space<vmem>>) attributes {dimension_semantics = [#tpu.dimension_semantics<arbitrary>], iteration_bounds = array<i64: 25>, scalar_prefetch = 0 : i64, scratch_operands = 0 : i64, tpu.core_type = #tpu.core_type<tc>, window_params = [{transform_indices = @transform_0, window_bounds = array<i64: 2, 400, 128>}, {transform_indices = @transform_1, window_bounds = array<i64: 2, 400, 1>}, {pipeline_mode = #tpu.pipeline_mode<synchronous>, transform_indices = @transform_2, window_bounds = array<i64: 128, 128>}, {pipeline_mode = #tpu.pipeline_mode<synchronous>, transform_indices = @transform_3, window_bounds = array<i64: 1, 128>}, {transform_indices = @transform_4, window_bounds = array<i64: 400, 128>}]} {
    %get3A = arith.constant 0 : index
    %get3A_0 = arith.constant 0 : index
    %get3A_1 = arith.constant 0 : index
    %get3A_2 = vector.load %arg1[%get3A, %get3A_0, %get3A_1] : memref<2x400x128xf32, #tpu.memory_space<vmem>>, vector<1x400x128xf32>
    %get3A_3 = vector.shape_cast %get3A_2 : vector<1x400x128xf32> to vector<400x128xf32>
    %get3A_4 = arith.constant 1 : index
    %get3A_5 = arith.constant 0 : index
    %get3A_6 = arith.constant 0 : index
    %get3A_7 = vector.load %arg1[%get3A_4, %get3A_5, %get3A_6] : memref<2x400x128xf32, #tpu.memory_space<vmem>>, vector<1x400x128xf32>
    %get3A_8 = vector.shape_cast %get3A_7 : vector<1x400x128xf32> to vector<400x128xf32>
    %add3A = arith.addf %get3A_3, %get3A_8 : vector<400x128xf32>
    %get3A_9 = arith.constant 0 : index
    %get3A_10 = arith.constant 0 : index
    %get3A_11 = arith.constant 0 : index
    %get3A_12 = vector.load %arg2[%get3A_9, %get3A_10, %get3A_11] : memref<2x400x1xf32, #tpu.memory_space<vmem>>, vector<1x400x1xf32>
    %get3A_13 = vector.shape_cast %get3A_12 : vector<1x400x1xf32> to vector<400x1xf32>
    %get3A_14 = arith.constant 1 : index
    %get3A_15 = arith.constant 0 : index
    %get3A_16 = arith.constant 0 : index
    %get3A_17 = vector.load %arg2[%get3A_14, %get3A_15, %get3A_16] : memref<2x400x1xf32, #tpu.memory_space<vmem>>, vector<1x400x1xf32>
    %get3A_18 = vector.shape_cast %get3A_17 : vector<1x400x1xf32> to vector<400x1xf32>
    %add3A_19 = arith.addf %get3A_13, %get3A_18 : vector<400x1xf32>
    %get3A_20 = arith.constant 0 : index
    %get3A_21 = arith.constant 0 : index
    %get3A_22 = vector.load %arg3[%get3A_20, %get3A_21] : memref<128x128xf32, #tpu.memory_space<vmem>>, vector<128x128xf32>
    %dot_general3A = arith.constant dense<0.000000e+00> : vector<400x128xf32>
    %dot_general3A_23 = tpu.matmul %add3A, %get3A_22, %dot_general3A {dimension_numbers = #tpu.dot_dimension_numbers<[1], [0], [0], [1], [0, 0, 1, 1], [], []>, transpose_lhs_hint = false} : vector<400x128xf32>, vector<128x128xf32>, vector<400x128xf32> -> vector<400x128xf32>
    %get3A_24 = arith.constant 0 : index
    %get3A_25 = arith.constant 0 : index
    %get3A_26 = vector.load %arg4[%get3A_24, %get3A_25] : memref<1x128xf32, #tpu.memory_space<vmem>>, vector<1x128xf32>
    %mul3A = vector.broadcast %add3A_19 : vector<400x1xf32> to vector<400x128xf32>
    %mul3A_27 = vector.broadcast %get3A_26 : vector<1x128xf32> to vector<400x128xf32>
    %mul3A_28 = arith.mulf %mul3A, %mul3A_27 : vector<400x128xf32>
    %add3A_29 = arith.addf %dot_general3A_23, %mul3A_28 : vector<400x128xf32>
    %swap3A = arith.constant 0 : index
    %swap3A_30 = arith.constant 0 : index
    %swap3A_31 = vector.load %arg5[%swap3A, %swap3A_30] : memref<400x128xf32, #tpu.memory_space<vmem>>, vector<400x128xf32>
    tpu.vector_store %arg5[%swap3A, %swap3A_30], %add3A_29 {strides = array<i32>} : memref<400x128xf32, #tpu.memory_space<vmem>>, vector<400x128xf32>,
    return
  }
  func.func @transform_0(%arg0: i32) -> (i32, i32, i32) {
    %c0_i32 = arith.constant 0 : i32
    %c0_i32_0 = arith.constant 0 : i32
    %c0_i32_1 = arith.constant 0 : i32
    return %c0_i32, %arg0, %c0_i32_0 : i32, i32, i32
  }
  func.func @transform_1(%arg0: i32) -> (i32, i32, i32) {
    %c0_i32 = arith.constant 0 : i32
    %c0_i32_0 = arith.constant 0 : i32
    %c0_i32_1 = arith.constant 0 : i32
    return %c0_i32, %arg0, %c0_i32_0 : i32, i32, i32
  }
  func.func @transform_2(%arg0: i32) -> (i32, i32) {
    %c0_i32 = arith.constant 0 : i32
    %c0_i32_0 = arith.constant 0 : i32
    %c0_i32_1 = arith.constant 0 : i32
    return %c0_i32, %c0_i32_0 : i32, i32
  }
  func.func @transform_3(%arg0: i32) -> (i32, i32) {
    %c0_i32 = arith.constant 0 : i32
    %c0_i32_0 = arith.constant 0 : i32
    %c0_i32_1 = arith.constant 0 : i32
    return %c0_i32, %c0_i32_0 : i32, i32
  }
  func.func @transform_4(%arg0: i32) -> (i32, i32) {
    %c0_i32 = arith.constant 0 : i32
    %c0_i32_0 = arith.constant 0 : i32
    return %arg0, %c0_i32 : i32, i32
  }
}

</mosaic_0001>

<sc_bundles>
// kernel: kernel.4.cloned.1.call-start
scs
__scs_entry_jumppad:
0x0: {  	(pc) =	sbr.rel $0x88, $3  }
0x1: {  	(tag) =	ssettag $0x0;
	lr =	simm.s32 $0x1  }
0x2: {  	[smem:$0x3F9C] =	sst lr;
	_ =	strace $0xD0000000  }
0x3: {  	_ = 	snop  }
0x4: {  	_ = 	snop  }
0x5: {  	_ = 	snop  }
0x6: {  	_ = 	snop  }
0x7: {  	_ = 	snop  }
__scs_overlays_trampoline_lowered:
0x8: {  	[smem:$0x3FAB] =	sst s0  }
0x9: {  	[smem:$0x3FAC] =	sst s1  }
0xa: {  	[smem:$0x3FAD] =	sst s2  }
0xb: {  	[smem:$0x3FAE] =	sst s3  }
0xc: {  	[smem:$0x3FAF] =	sst s4  }
0xd: {  	[smem:$0x3FB0] =	sst s5  }
0xe: {  	[smem:$0x3FB1] =	sst s6  }
0xf: {  	[smem:$0x3FB2] =	sst s7  }
0x10: {  	[smem:$0x3FB3] =	sst s8  }
0x11: {  	[smem:$0x3FB4] =	sst s9;
	s0 =	simm.s32 @!p0 $0x0  }
0x12: {  	s1 =	sld [smem:$0x3F9A];
	s0 =	simm.s32 @p0 $0x1  }
0x13: {  	[smem:$0x3FB5] =	sst s0;
	s0 =	simm.s32 @!p1 $0x0  }
0x14: {  	s2 =	sld [smem:$0x3F99];
	s0 =	simm.s32 @p1 $0x1  }
0x15: {  	[smem:$0x3FB6] =	sst s0;
	s0 =	simm.s32 @!p2 $0x0  }
0x16: {  	s3 =	sld [smem:$0x3FDB];
	s0 =	simm.s32 @p2 $0x1  }
0x17: {  	s4 =	simm.s32 $0x1BF5;
	[smem:$0x3FB8] =	sst s0  }
0x18: {  	s0 =	sld [smem:$0x3F9B];
	_ =	swait.ge [sflag:s4], $0x0  }
0x19: {  	s7 =	sld [smem:$0x3F9C]  }
0x1a: {  	s8 =	sadd.s32 $0xFFFFE003, lr  }
0x1b: {  	s9 =	sadd.s32 $0xFFFFFEF7, lr;
	s5 =	simm.s32 $0xFFFFFFFF;
	p2 =	slt.u32 s8, $0xFFFFF086  }
0x1c: {  	p1 =	slt.u32 s9, $0xF7A;
	s5 =	simm.s32 @!p2 $0x0  }
0x1d: {  	s5 =	simm.s32 @p1 $0x1;
	p0 =	seq.s32 s7, s2  }
0x1e: {  	s7 =	smul.u32 @!p0 $0xF7A, s2;
	p2 =	seq.s32 @!p0 s5, $0x0  }
0x1f: {  	s9 =	smul.u32 $0xF7A, s1;
	s8 =	simm.s32 @!p0 $0x1BF5;
	p2 =	por !p2, p0  }
0x20: {  	[sflag:s8] =	ssyncset.s32 @!p0 $0xFFFFF086;
	s6 =	sadd.s32 @!p0 s3, s7;
	s7 =	simm.s32 @!p0 $0x108  }
0x21: {  	s3 =	sadd.s32 s3, s9;
	s6 =	sadd.s32 @!p0 $0x88, s6;
	s7 =	simm.s32 @p2 $0x1082  }
0x22: {  	[simem:s7], [sflag:s8] =	dma.local @!p0 [hbm:s6], $0xF7A  }
0x23: {  	s9 =	sor.u32 $0xD0000000, s2;
	s6 =	simm.s32 $0x108;
	_ =	swait.ge @!p0 [sflag:s8], $0x0  }
0x24: {  	s3 =	sadd.s32 $0x88, s3;
	s6 =	simm.s32 @!p1 $0x1082;
	[sflag:s4] =	ssyncset.s32 $0xFFFFF086  }
0x25: {  	[simem:s6], [sflag:s4] =	dma.local [hbm:s3], $0xF7A  }
0x26: {  	[smem:$0x3F9C] =	sst s1;
	(tag) =	ssettag s2;
	_ =	strace s9  }
0x27: {  	s1 =	sld [smem:$0x3FAC]  }
0x28: {  	s2 =	sld [smem:$0x3FAD]  }
0x29: {  	s4 =	sld [smem:$0x3FAF]  }
0x2a: {  	p0 =	seq.s32 s5, $0x0;
	s5 =	sld [smem:$0x3FB0]  }
0x2b: {  	s6 =	sld [smem:$0x3FB1]  }
0x2c: {  	s7 =	sld [smem:$0x3FB2]  }
0x2d: {  	s3 =	simm.s32 $0x108;
	s8 =	sld [smem:$0x3FB3]  }
0x2e: {  	s3 =	simm.s32 @!p0 $0x1082;
	s9 =	sld [smem:$0x3FB4]  }
0x2f: {  	lr =	sadd.s32 s0, s3;
	s0 =	sld [smem:$0x3FAB]  }
0x30: {  	s3 =	sld [smem:$0x3FAE]  }
0x31: {  	[smem:$0x3FB7] =	sst s10  }
0x32: {  	s10 =	sld [smem:$0x3FB5];
	_ =	sdelay $0x3  }
0x33: {  	p0 =	seq.s32 s10, $0x1;
	s10 =	sld [smem:$0x3FB7];
	_ =	sdelay $0x3  }
0x34: {  	[smem:$0x3FB7] =	sst s10  }
0x35: {  	s10 =	sld [smem:$0x3FB6];
	_ =	sdelay $0x3  }
0x36: {  	p1 =	seq.s32 s10, $0x1;
	s10 =	sld [smem:$0x3FB7];
	_ =	sdelay $0x3  }
0x37: {  	[smem:$0x3FB7] =	sst s10  }
0x38: {  	s10 =	sld [smem:$0x3FB8]  }
0x39: {  	_ = 	snop;
	(pc) =	sbr.ind lr, $3  }
0x3a: {  	_ = 	snop  }
0x3b: {  	_ = 	snop  }
0x3c: {  	p2 =	seq.s32 s10, $0x1;
	s10 =	sld [smem:$0x3FB7]  }
0x3d: {  	_ =	shalt  }
0x3e: {  	_ =	shalt  }
0x3f: {  	_ =	shalt  }
0x40: {  	_ =	shalt  }
0x41: {  	_ =	shalt  }
0x42: {  	_ =	shalt  }
0x43: {  	_ =	shalt  }
0x44: {  	_ =	shalt  }
0x45: {  	_ =	shalt  }
0x46: {  	_ =	shalt  }
0x47: {  	_ =	shalt  }
0x48: {  	_ =	shalt  }
0x49: {  	_ =	shalt  }
0x4a: {  	_ =	shalt  }
0x4b: {  	_ =	shalt  }
0x4c: {  	_ =	shalt  }
0x4d: {  	_ =	shalt  }
0x4e: {  	_ =	shalt  }
0x4f: {  	_ =	shalt  }
0x50: {  	_ =	shalt  }
0x51: {  	_ =	shalt  }
0x52: {  	_ =	shalt  }
0x53: {  	_ =	shalt  }
0x54: {  	_ =	shalt  }
0x55: {  	_ =	shalt  }
0x56: {  	_ =	shalt  }
0x57: {  	_ =	shalt  }
0x58: {  	_ =	shalt  }
0x59: {  	_ =	shalt  }
0x5a: {  	_ =	shalt  }
0x5b: {  	_ =	shalt  }
0x5c: {  	_ =	shalt  }
0x5d: {  	_ =	shalt  }
0x5e: {  	_ =	shalt  }
0x5f: {  	_ =	shalt  }
0x60: {  	_ =	shalt  }
0x61: {  	_ =	shalt  }
0x62: {  	_ =	shalt  }
0x63: {  	_ =	shalt  }
0x64: {  	_ =	shalt  }
0x65: {  	_ =	shalt  }
0x66: {  	_ =	shalt  }
0x67: {  	_ =	shalt  }
0x68: {  	_ =	shalt  }
0x69: {  	_ =	shalt  }
0x6a: {  	_ =	shalt  }
0x6b: {  	_ =	shalt  }
0x6c: {  	_ =	shalt  }
0x6d: {  	_ =	shalt  }
0x6e: {  	_ =	shalt  }
0x6f: {  	_ =	shalt  }
0x70: {  	_ =	shalt  }
0x71: {  	_ =	shalt  }
0x72: {  	_ =	shalt  }
0x73: {  	_ =	shalt  }
0x74: {  	_ =	shalt  }
0x75: {  	_ =	shalt  }
0x76: {  	_ =	shalt  }
0x77: {  	_ =	shalt  }
0x78: {  	_ =	shalt  }
0x79: {  	_ =	shalt  }
0x7a: {  	_ =	shalt  }
0x7b: {  	_ =	shalt  }
0x7c: {  	_ =	shalt  }
0x7d: {  	_ =	shalt  }
0x7e: {  	_ =	shalt  }
0x7f: {  	_ =	shalt  }
0x80: {  	_ =	shalt  }
0x81: {  	_ =	shalt  }
0x82: {  	_ =	shalt  }
0x83: {  	_ =	shalt  }
0x84: {  	_ =	shalt  }
0x85: {  	_ =	shalt  }
0x86: {  	_ =	shalt  }
0x87: {  	_ =	shalt  }
.Lfunc_end0:
.L_simem_size_0:
called_computation_lowered:
.L_overlay_start_0:
0x88: {  	s2 =	sld [smem:$0x3FD9]  }
0x89: {  	s3 =	sld [smem:$0x3FFE];
	_ =	sdelay $0x1  }
0x8a: {  	s1 =	srdreg.scid  }
0x8b: {  	s0 =	sand.u32 $0x1, s1  }
0x8c: {  	s17 =	sshll.u32 s0, $0xA;
	s2 =	sadd.s32 s3, s2  }
0x8d: {  	s2 =	sadd.s32 s2, s17  }
0x8e: {  	[smem:$0x3FC3] =	sst s2  }
0x8f: {  	_ = 	snop  }
0x90: {  	s2 =	sld [smem:$0x3FC9]  }
0x91: {  	s18 =	sld [smem:$0x3FD0];
	(tm) =	ssettm $0x1  }
0x92: {  	s4 =	sld [smem:$0x3FFB];
	_ =	sdelay $0x3  }
0x93: {  	_ =	strace s4  }
0x94: {  	s4 =	sld [smem:$0x3FFC];
	_ =	sdelay $0x3  }
0x95: {  	_ =	strace s4  }
0x96: {  	s4 =	sld [smem:$0x3FFD];
	_ =	sdelay $0x3  }
0x97: {  	_ =	strace s4  }
0x98: {  	_ =	strace $0x8FFFFFFF  }
0x99: {  	s19 =	sld [smem:$0x3FDB];
	_ =	sdelay $0x1  }
0x9a: {  	s5 =	simm.s32 $_scs_section_size  }
0x9b: {  	s6 =	simm.s32 $_size__tile_overlayer_lowered;
	s7 =	simm.s32 $_tile_overlayer_lowered  }
0x9c: {  	s22 =	simm.s32 $0x1BFF;
	s21 =	sshll.u32 s7, $0x1;
	s4 =	sadd.s32 s5, s19  }
0x9d: {  	s8 =	simm.s32 $0x0;
	s20 =	sshll.u32 s6, $0x1;
	s6 =	sadd.s32 s21, s4  }
0x9e: {  	[timem:s8], [sflag:s22] =	dma.local [hbm:s6], s20  }
0x9f: {  	_ =	swait.ge [sflag:s22], s20  }
0xa0: {  	s5 =	ssub.s32 $0x0, s20;
	[sflag:s22] =	ssyncset.done $0x0  }
0xa1: {  	[sflag:s22] =	ssyncadd.s32 s5;
	_ =	sdelay $0x1  }
0xa2: {  	s23 =	simm.s32 $0x1B8B  }
0xa3: {  	_ =	swait.ge [sflag:s23], $0x1  }
0xa4: {  	[sflag:s23] =	ssyncset.done $0x0  }
0xa5: {  	s25 =	simm.s32 $0x1B8E;
	s24 =	sld [smem:$0x3FFE];
	[sflag:s23] =	ssyncadd.s32 $0xFFFFFFFF  }
0xa6: {  	s26 =	simm.s32 $execute0_lowered;
	[smem:$0x3FD2] =	sst s25  }
0xa7: {  	s6 =	sshll.u32 s26, $0x1;
	_ =	strace $0x80000046;
	[dreg:$0x1] =	wrdreg $0xFFFFFFFF  }
0xa8: {  	s28 =	simm.s32 $_size_execute0_lowered;
	s4 =	sadd.s32 s4, s6;
	[dreg:$0x0] =	wrdreg $0x0  }
0xa9: {  	s6 =	sshll.u32 s28, $0x1;
	[dreg:$0x2] =	wrdreg s4  }
0xaa: {  	[dreg:$0x3] =	wrdreg s6  }
0xab: {  	[dreg:$0x4] =	wrdreg $0xC0  }
0xac: {  	_ =	task [dreg:s8], $0x5FFFF  }
0xad: {  	[dreg:$0x1] =	wrdreg $0xFFFFFFFF  }
0xae: {  	[dreg:$0x0] =	wrdreg $0x60  }
0xaf: {  	[dreg:$0x2] =	wrdreg s2  }
0xb0: {  	[dreg:$0x3] =	wrdreg s18  }
0xb1: {  	[dreg:$0x4] =	wrdreg s24  }
0xb2: {  	[dreg:$0x5] =	wrdreg $0xA8800  }
0xb3: {  	[dreg:$0x6] =	wrdreg $0x1E8800  }
0xb4: {  	[dreg:$0x7] =	wrdreg $0x9  }
0xb5: {  	_ =	task.clear_ibuf [dreg:s8], $0x8FFFF;
	_ =	strace $0x90000046  }
0xb6: {  	s29 =	simm.s32 $0x9;
	_ =	strace $0x80000048  }
0xb7: {  	_ =	swait.ge [sflag:s29], $0x1  }
0xb8: {  	[sflag:s29] =	ssyncadd.s32 $0xFFFFFFFF  }
0xb9: {  	_ =	strace $0x90000048  }
0xba: {  	_ =	sfence  }
0xbb: {  	s30 =	sld [smem:$0x0];
	_ =	sdelay $0x2  }
0xbc: {  	s31 =	sshll.u32 s1, $0xD;
	s1 =	sshrl.u32 s1, $0x2  }
0xbd: {  	s3 =	sand.u32 $0x4000, s31;
	s1 =	sadd.s32 s1, s30  }
0xbe: {  	s0 =	sor.u32 s3, s0;
	s1 =	sshll.u32 s1, $0x11  }
0xbf: {  	s0 =	sor.u32 s1, s0  }
0xc0: {  	s0 =	sadd.s32 $0x8F2B, s0  }
0xc1: {  	[sflag:s0] =	ssyncadd.remote.s32 $0x1  }
0xc2: {  	_ =	sfence.sel $0xFFFF  }
0xc3: {  	[dreg:$0x0] =	wrdreg $0xFFFFFFFF;
	(pc) =	sbr.abs _section_cstart, $3  }
0xc4: {  	[dreg:$0x1] =	wrdreg $0xFFFFFFFF  }
0xc5: {  	_ =	task.clear_ibuf [dreg:s8], $0x2FFFF;
	_ =	strace $0x9FFFFFFF  }
0xc6: {  	(tm) =	ssettm $0x7FFFFFFF  }
0xc7: {  	_ =	shalt  }
tec
execute0_lowered:
.L_overlay_start_1:
0x0: {  	(tag) =	ssettag $0x1  }
0x1: {  	s1 =	rddreg [dreg:$0x0]  }
0x2: {  	s0 =	rddreg [dreg:$0x1]  }
0x3: {  	s5 =	rddreg [dreg:$0x2]  }
0x4: {  	s2 =	rddreg [dreg:$0x3]  }
0x5: {  	s3 =	rddreg [dreg:$0x4];
	s6 =	stileid.u32  }
0x6: {  	s7 =	srdreg.scid;
	s4 =	simm.s32 $0x0;
	s28 =	simm.s32 $0x2700  }
0x7: {  	s29 =	simm.s32 $0x2780;
	s30 =	simm.s32 $0x3;
	s31 =	simm.s32 $0x0  }
0x8: {  	s8 =	smul.u32 $0x14000, s6;
	s7 =	sand.u32 $0x1, s7;
	[smem:$0x7FF] =	sst s4  }
0x9: {  	s15 =	sadd.s32 $0xE00, s5;
	s17 =	sadd.s32 $0xB000, s5;
	s18 =	sadd.s32 $0xAE00, s5  }
0xa: {  	s11 =	smul.u32 $0x50000, s6;
	s23 =	sshll.u32 s6, $0x6;
	p0 =	sne.s32 s6, $0x0  }
0xb: {  	s9 =	smul.u32 $0x140000, s7;
	_ =	strace $0x80000047;
	[dreg:$0x6] =	wrdreg s17  }
0xc: {  	[dreg:$0x7] =	wrdreg s18;
	s19 =	sshll.u32 s7, $0x4;
	s7 =	ssub.s32 $0x2, s7  }
0xd: {  	s17 =	simm.s32 $0x4;
	s18 =	sshrl.u32 @!p0 s3, $0x3;
	s10 =	sshrl.u32 s8, $0x3  }
0xe: {  	s20 =	sshrl.u32 s7, $0x1;
	s21 =	sor.u32 s6, s19;
	s22 =	sshrl.u32 s11, $0x2  }
0xf: {  	s10 =	sadd.s32 s10, s5;
	s8 =	sadd.s32 s8, s9;
	s13 =	ssub.s32 s7, s20  }
0x10: {  	s16 =	sadd.s32 s22, s2;
	s14 =	smul.u32 $0x2800, s21;
	s20 =	simm.s32 $0x1400  }
0x11: {  	s21 =	simm.s32 $0x80;
	s22 =	simm.s32 $0x2800;
	s8 =	sshrl.u32 s8, $0x3  }
0x12: {  	s24 =	sadd.s32 $0xB600, s10;
	s11 =	smax.u32 s13, $0x1;
	s16 =	sshrl.u32 s16, $0x3  }
0x13: {  	s12 =	sadd.s32 s8, s5;
	s5 =	sadd.s32 s19, s5;
	[dreg:$0x8] =	wrdreg s24  }
0x14: {  	s8 =	sor.u32 $0x1C04, s23;
	s26 =	sshrl.u32 s14, $0x3;
	s19 =	simm.s32 $0xA800  }
0x15: {  	s23 =	simm.s32 $0x6800;
	s24 =	simm.s32 $0x1;
	s25 =	sadd.s32 $0x34000, s12  }
0x16: {  	s10 =	sadd.s32 $0x33600, s5;
	s12 =	sadd.s32 s0, s26;
	s13 =	sadd.s32 s15, s26  }
0x17: {  	s5 =	sadd.s32 $0x280, s26;
	s26 =	simm.s32 $0x1380;
	[dreg:$0x9] =	wrdreg s25  }
0x18: {  	s14 =	sadd.s32 s0, s5;
	s15 =	sadd.s32 s15, s5;
	s25 =	simm.s32 $0x2  }
.LBB2_1:
0x19: {  	s0 =	rddreg [dreg:$0x8]  }
0x1a: {  	[spmem:s16], [sflag:s8] =	dma.local [hbm:s0], $0x2800  }
0x1b: {  	_ =	swait.ge [sflag:s17], $0x2800  }
0x1c: {  	[sflag:s17] =	ssyncset.done $0x0  }
0x1d: {  	s0 =	rddreg [dreg:$0x6];
	[sflag:s17] =	ssyncadd.s32 $0xFFFFD800  }
0x1e: {  	[spmem:s18], [sflag:s8] =	dma.local @!p0 [hbm:s0], $0x500  }
0x1f: {  	s0 =	simm.s32 @!p0 $0x4  }
0x20: {  	_ =	swait.ge @!p0 [sflag:s0], $0x500  }
0x21: {  	[sflag:s0] =	ssyncset.done @!p0 $0x0  }
0x22: {  	s6 =	rddreg [dreg:$0x7];
	[sflag:s0] =	ssyncadd.s32 @!p0 $0xFFFFFB00  }
0x23: {  	[tilespmem:s19], [sflag:$0x4] =	stream.linear.gather [hbm4b:s6+s4], $0x80, $0x38;
	[tilespmem:$0x1EB00] =	vst v63  }
0x24: {  	_ =	swait.ge [sflag:s17], $0x80  }
0x25: {  	[sflag:s17] =	ssyncset.done $0x0  }
0x26: {  	[sflag:s17] =	ssyncadd.s32 $0xFFFFFF80  }
0x27: {  	[bflag:$0x0] =	sbarrier.arrive $0xFFFF  }
0x28: {  	[tilespmem:s4], [sflag:$0x4] =	stream.linear.gather [hbm4b:s12+s4], $0x1400, $0x38;
	[tilespmem:$0x1EB00] =	vst v63  }
0x29: {  	_ =	swait.ge [sflag:s17], $0x1400  }
0x2a: {  	[sflag:s17] =	ssyncset.done $0x0  }
0x2b: {  	[sflag:s17] =	ssyncadd.s32 $0xFFFFEC00  }
0x2c: {  	[tilespmem:s20], [sflag:$0x4] =	stream.linear.gather [hbm4b:s13+s4], $0x1400, $0x38;
	[tilespmem:$0x1EB00] =	vst v63  }
0x2d: {  	_ =	swait.ge [sflag:s17], $0x1400  }
0x2e: {  	[sflag:s17] =	ssyncset.done $0x0  }
0x2f: {  	[sflag:s17] =	ssyncadd.s32 $0xFFFFEC00  }
0x30: {  	[tilespmem:s22], [sflag:$0x1] =	stream.indirect.gather [hbm4b:s1+s21], $0x80, s4, s21, $0xb8;
	[tilespmem:$0x1EB00] =	vst v63  }
0x31: {  	s7 =	simm.s32 $0x80  }
0x32: {  	[tilespmem:s23], [sflag:$0x2] =	stream.indirect.gather [hbm4b:s1+s21], $0x80, s7, s21, $0xb8;
	[tilespmem:$0x1EB00] =	vst v63  }
0x33: {  	_ =	swait.ge [sflag:s24], $0x4000  }
0x34: {  	[sflag:s24] =	ssyncset.done $0x0  }
0x35: {  	s9 =	simm.s32 $0x1400;
	[sflag:s24] =	ssyncadd.s32 $0xFFFFC000  }
0x36: {  	[spmem:s2] =	stream.indirect.scatter.add.f32 [tilespmem:s22], [sflag:$0x4], $0x80, s9, s21, $0xb8;
	[tilespmem:$0x1EB00] =	vst v63  }
0x37: {  	_ =	swait.ge [sflag:s17], $0x4000  }
0x38: {  	[sflag:s17] =	ssyncset.done $0x0  }
0x39: {  	s5 =	simm.s32 $0x100;
	[sflag:s17] =	ssyncadd.s32 $0xFFFFC000  }
0x3a: {  	[tilespmem:s22], [sflag:$0x1] =	stream.indirect.gather [hbm4b:s1+s21], $0x80, s5, s21, $0xb8;
	[tilespmem:$0x1EB00] =	vst v63  }
0x3b: {  	_ = 	snop  }
0x3c: {  	[spmem:s3] =	stream.indirect.scatter.add.f32 [tilespmem:s19], [sflag:$0x3], $0x1, s9, s21, $0xb8;
	[tilespmem:$0x1EB00] =	vst v63  }
0x3d: {  	_ =	swait.ge [sflag:s25], $0x4000  }
0x3e: {  	[sflag:s25] =	ssyncset.done $0x0  }
0x3f: {  	s5 =	simm.s32 $0x1480;
	[sflag:s25] =	ssyncadd.s32 $0xFFFFC000  }
0x40: {  	[spmem:s2] =	stream.indirect.scatter.add.f32 [tilespmem:s23], [sflag:$0x4], $0x80, s5, s21, $0xb8;
	[tilespmem:$0x1EB00] =	vst v63  }
0x41: {  	_ =	swait.ge [sflag:s17], $0x4000  }
0x42: {  	[sflag:s17] =	ssyncset.done $0x0  }
0x43: {  	s0 =	simm.s32 $0x100;
	s6 =	simm.s32 $0x800;
	[sflag:s17] =	ssyncadd.s32 $0xFFFFC000  }
.LBB2_2:
0x44: {  	[spmem:s3] =	stream.indirect.scatter.add.f32 [tilespmem:s19], [sflag:$0x3], $0x1, s5, s21, $0xb8;
	[tilespmem:$0x1EB00] =	vst v63  }
0x45: {  	s5 =	smov.u32 s6  }
0x46: {  	s9 =	sadd.s32 $0x400, s6;
	s7 =	sshra.s32 s5, $0x2;
	s5 =	sadd.s32 $0x80, s0  }
0x47: {  	[tilespmem:s23], [sflag:$0x2] =	stream.indirect.gather [hbm4b:s1+s21], $0x80, s5, s21, $0xb8;
	[tilespmem:$0x1EB00] =	vst v63  }
0x48: {  	p1 =	sne.s32 s6, $0x4800;
	_ =	swait.ge [sflag:s24], $0x4000  }
0x49: {  	[sflag:s24] =	ssyncset.done $0x0  }
0x4a: {  	s5 =	sadd.s32 $0x1400, s0;
	[sflag:s24] =	ssyncadd.s32 $0xFFFFC000  }
0x4b: {  	[spmem:s2] =	stream.indirect.scatter.add.f32 [tilespmem:s22], [sflag:$0x4], $0x80, s5, s21, $0xb8;
	[tilespmem:$0x1EB00] =	vst v63  }
0x4c: {  	_ =	swait.ge [sflag:s17], $0x4000  }
0x4d: {  	[sflag:s17] =	ssyncset.done $0x0  }
0x4e: {  	s6 =	sadd.s32 $0x100, s0;
	[sflag:s17] =	ssyncadd.s32 $0xFFFFC000  }
0x4f: {  	[tilespmem:s22], [sflag:$0x1] =	stream.indirect.gather [hbm4b:s1+s21], $0x80, s6, s21, $0xb8;
	[tilespmem:$0x1EB00] =	vst v63  }
0x50: {  	_ = 	snop  }
0x51: {  	[spmem:s3] =	stream.indirect.scatter.add.f32 [tilespmem:s19], [sflag:$0x3], $0x1, s5, s21, $0xb8;
	[tilespmem:$0x1EB00] =	vst v63  }
0x52: {  	_ =	swait.ge [sflag:s25], $0x4000  }
0x53: {  	[sflag:s25] =	ssyncset.done $0x0  }
.Ltmp0:
0x54: {  	s5 =	sadd.s32 $0x1480, s0;
	[sflag:s25] =	ssyncadd.s32 $0xFFFFC000;
	(pc) =	sbr.rel @p1 .LBB2_2-.Ltmp0, $4  }
0x55: {  	[spmem:s2] =	stream.indirect.scatter.add.f32 [tilespmem:s23], [sflag:$0x4], $0x80, s5, s21, $0xb8;
	[tilespmem:$0x1EB00] =	vst v63  }
0x56: {  	s0 =	smov.u32 s7;
	_ =	swait.ge [sflag:s17], $0x4000  }
0x57: {  	[sflag:s17] =	ssyncset.done $0x0  }
0x58: {  	s6 =	smov.u32 s9;
	[sflag:s17] =	ssyncadd.s32 $0xFFFFC000  }
0x59: {  	[spmem:s3] =	stream.indirect.scatter.add.f32 [tilespmem:s19], [sflag:$0x3], $0x1, s5, s21, $0xb8;
	[tilespmem:$0x1EB00] =	vst v63  }
0x5a: {  	s6 =	sadd.s32 $0x80, s0  }
0x5b: {  	[tilespmem:s23], [sflag:$0x2] =	stream.indirect.gather [hbm4b:s1+s21], $0x80, s6, s21, $0xb8;
	[tilespmem:$0x1EB00] =	vst v63  }
0x5c: {  	_ =	swait.ge [sflag:s24], $0x4000  }
0x5d: {  	[sflag:s24] =	ssyncset.done $0x0  }
0x5e: {  	s7 =	sadd.s32 $0x1400, s0;
	[sflag:s24] =	ssyncadd.s32 $0xFFFFC000  }
0x5f: {  	[spmem:s2] =	stream.indirect.scatter.add.f32 [tilespmem:s22], [sflag:$0x4], $0x80, s7, s21, $0xb8;
	[tilespmem:$0x1EB00] =	vst v63  }
0x60: {  	_ =	swait.ge [sflag:s17], $0x4000  }
0x61: {  	[sflag:s17] =	ssyncset.done $0x0  }
0x62: {  	s6 =	sadd.s32 $0x100, s0;
	[sflag:s17] =	ssyncadd.s32 $0xFFFFC000  }
0x63: {  	[tilespmem:s22], [sflag:$0x1] =	stream.indirect.gather [hbm4b:s1+s21], $0x80, s6, s21, $0xb8;
	[tilespmem:$0x1EB00] =	vst v63  }
0x64: {  	_ = 	snop  }
0x65: {  	[spmem:s3] =	stream.indirect.scatter.add.f32 [tilespmem:s19], [sflag:$0x3], $0x1, s7, s21, $0xb8;
	[tilespmem:$0x1EB00] =	vst v63  }
0x66: {  	_ =	swait.ge [sflag:s25], $0x4000  }
0x67: {  	[sflag:s25] =	ssyncset.done $0x0  }
0x68: {  	s9 =	sadd.s32 $0x1480, s0;
	[sflag:s25] =	ssyncadd.s32 $0xFFFFC000  }
0x69: {  	[spmem:s2] =	stream.indirect.scatter.add.f32 [tilespmem:s23], [sflag:$0x4], $0x80, s9, s21, $0xb8;
	[tilespmem:$0x1EB00] =	vst v63  }
0x6a: {  	_ =	swait.ge [sflag:s17], $0x4000  }
0x6b: {  	[sflag:s17] =	ssyncset.done $0x0  }
0x6c: {  	[sflag:s17] =	ssyncadd.s32 $0xFFFFC000  }
0x6d: {  	[spmem:s3] =	stream.indirect.scatter.add.f32 [tilespmem:s19], [sflag:$0x3], $0x1, s9, s21, $0xb8;
	[tilespmem:$0x1EB00] =	vst v63  }
0x6e: {  	_ = 	snop  }
0x6f: {  	[tilespmem:s23], [sflag:$0x2] =	stream.indirect.gather [hbm4b:s1+s21], $0x80, s26, s21, $0xb8;
	[tilespmem:$0x1EB00] =	vst v63  }
0x70: {  	_ =	swait.ge [sflag:s24], $0x4000  }
0x71: {  	[sflag:s24] =	ssyncset.done $0x0  }
0x72: {  	[sflag:s24] =	ssyncadd.s32 $0xFFFFC000  }
0x73: {  	[spmem:s2] =	stream.indirect.scatter.add.f32 [tilespmem:s22], [sflag:$0x4], $0x80, s28, s21, $0xb8;
	[tilespmem:$0x1EB00] =	vst v63  }
0x74: {  	_ =	swait.ge [sflag:s17], $0x4000  }
0x75: {  	[sflag:s17] =	ssyncset.done $0x0  }
0x76: {  	[sflag:s17] =	ssyncadd.s32 $0xFFFFC000  }
0x77: {  	[spmem:s3] =	stream.indirect.scatter.add.f32 [tilespmem:s19], [sflag:$0x3], $0x1, s28, s21, $0xb8;
	[tilespmem:$0x1EB00] =	vst v63  }
0x78: {  	_ =	swait.ge [sflag:s25], $0x4000  }
0x79: {  	[sflag:s25] =	ssyncset.done $0x0  }
0x7a: {  	[sflag:s25] =	ssyncadd.s32 $0xFFFFC000  }
0x7b: {  	[spmem:s2] =	stream.indirect.scatter.add.f32 [tilespmem:s23], [sflag:$0x4], $0x80, s29, s21, $0xb8;
	[tilespmem:$0x1EB00] =	vst v63  }
0x7c: {  	_ =	swait.ge [sflag:s17], $0x4000  }
0x7d: {  	[sflag:s17] =	ssyncset.done $0x0  }
0x7e: {  	[sflag:s17] =	ssyncadd.s32 $0xFFFFC000  }
0x7f: {  	[spmem:s3] =	stream.indirect.scatter.add.f32 [tilespmem:s19], [sflag:$0x3], $0x1, s29, s21, $0xb8;
	[tilespmem:$0x1EB00] =	vst v63  }
0x80: {  	s5 =	simm.s32 $0x0  }
0x81: {  	[tilespmem:s5], [sflag:$0x4] =	stream.linear.gather [hbm4b:s14+s5], $0x1400, $0x38;
	[tilespmem:$0x1EB00] =	vst v63  }
0x82: {  	_ =	swait.ge [sflag:s17], $0x1400  }
0x83: {  	[sflag:s17] =	ssyncset.done $0x0  }
0x84: {  	[sflag:s17] =	ssyncadd.s32 $0xFFFFEC00  }
0x85: {  	[tilespmem:s20], [sflag:$0x4] =	stream.linear.gather [hbm4b:s15+s5], $0x1400, $0x38;
	[tilespmem:$0x1EB00] =	vst v63  }
0x86: {  	_ =	swait.ge [sflag:s17], $0x1400  }
0x87: {  	[sflag:s17] =	ssyncset.done $0x0  }
0x88: {  	[sflag:s17] =	ssyncadd.s32 $0xFFFFEC00  }
0x89: {  	[tilespmem:s22], [sflag:$0x1] =	stream.indirect.gather [hbm4b:s1+s21], $0x80, s5, s21, $0xb8;
	[tilespmem:$0x1EB00] =	vst v63  }
0x8a: {  	s6 =	simm.s32 $0x80  }
0x8b: {  	[tilespmem:s23], [sflag:$0x2] =	stream.indirect.gather [hbm4b:s1+s21], $0x80, s6, s21, $0xb8;
	[tilespmem:$0x1EB00] =	vst v63  }
0x8c: {  	_ =	swait.ge [sflag:s24], $0x4000  }
0x8d: {  	[sflag:s24] =	ssyncset.done $0x0  }
0x8e: {  	s7 =	simm.s32 $0x1400;
	[sflag:s24] =	ssyncadd.s32 $0xFFFFC000  }
0x8f: {  	[spmem:s2] =	stream.indirect.scatter.add.f32 [tilespmem:s22], [sflag:$0x4], $0x80, s7, s21, $0xb8;
	[tilespmem:$0x1EB00] =	vst v63  }
0x90: {  	_ =	swait.ge [sflag:s17], $0x4000  }
0x91: {  	[sflag:s17] =	ssyncset.done $0x0  }
0x92: {  	s9 =	simm.s32 $0x100;
	[sflag:s17] =	ssyncadd.s32 $0xFFFFC000  }
0x93: {  	[tilespmem:s22], [sflag:$0x1] =	stream.indirect.gather [hbm4b:s1+s21], $0x80, s9, s21, $0xb8;
	[tilespmem:$0x1EB00] =	vst v63  }
0x94: {  	_ = 	snop  }
0x95: {  	[spmem:s3] =	stream.indirect.scatter.add.f32 [tilespmem:s19], [sflag:$0x3], $0x1, s7, s21, $0xb8;
	[tilespmem:$0x1EB00] =	vst v63  }
0x96: {  	_ =	swait.ge [sflag:s25], $0x4000  }
0x97: {  	[sflag:s25] =	ssyncset.done $0x0  }
0x98: {  	s5 =	simm.s32 $0x1480;
	[sflag:s25] =	ssyncadd.s32 $0xFFFFC000  }
0x99: {  	[spmem:s2] =	stream.indirect.scatter.add.f32 [tilespmem:s23], [sflag:$0x4], $0x80, s5, s21, $0xb8;
	[tilespmem:$0x1EB00] =	vst v63  }
0x9a: {  	_ =	swait.ge [sflag:s17], $0x4000  }
0x9b: {  	[sflag:s17] =	ssyncset.done $0x0  }
0x9c: {  	s0 =	simm.s32 $0x100;
	s6 =	simm.s32 $0x800;
	[sflag:s17] =	ssyncadd.s32 $0xFFFFC000  }
.LBB2_4:
0x9d: {  	[spmem:s3] =	stream.indirect.scatter.add.f32 [tilespmem:s19], [sflag:$0x3], $0x1, s5, s21, $0xb8;
	[tilespmem:$0x1EB00] =	vst v63  }
0x9e: {  	s5 =	smov.u32 s6  }
0x9f: {  	s9 =	sadd.s32 $0x400, s6;
	s7 =	sshra.s32 s5, $0x2;
	s5 =	sadd.s32 $0x80, s0  }
0xa0: {  	[tilespmem:s23], [sflag:$0x2] =	stream.indirect.gather [hbm4b:s1+s21], $0x80, s5, s21, $0xb8;
	[tilespmem:$0x1EB00] =	vst v63  }
0xa1: {  	p1 =	sne.s32 s6, $0x4800;
	_ =	swait.ge [sflag:s24], $0x4000  }
0xa2: {  	[sflag:s24] =	ssyncset.done $0x0  }
0xa3: {  	s5 =	sadd.s32 $0x1400, s0;
	[sflag:s24] =	ssyncadd.s32 $0xFFFFC000  }
0xa4: {  	[spmem:s2] =	stream.indirect.scatter.add.f32 [tilespmem:s22], [sflag:$0x4], $0x80, s5, s21, $0xb8;
	[tilespmem:$0x1EB00] =	vst v63  }
0xa5: {  	_ =	swait.ge [sflag:s17], $0x4000  }
0xa6: {  	[sflag:s17] =	ssyncset.done $0x0  }
0xa7: {  	s6 =	sadd.s32 $0x100, s0;
	[sflag:s17] =	ssyncadd.s32 $0xFFFFC000  }
0xa8: {  	[tilespmem:s22], [sflag:$0x1] =	stream.indirect.gather [hbm4b:s1+s21], $0x80, s6, s21, $0xb8;
	[tilespmem:$0x1EB00] =	vst v63  }
0xa9: {  	_ = 	snop  }
0xaa: {  	[spmem:s3] =	stream.indirect.scatter.add.f32 [tilespmem:s19], [sflag:$0x3], $0x1, s5, s21, $0xb8;
	[tilespmem:$0x1EB00] =	vst v63  }
0xab: {  	_ =	swait.ge [sflag:s25], $0x4000  }
0xac: {  	[sflag:s25] =	ssyncset.done $0x0  }
.Ltmp1:
0xad: {  	s5 =	sadd.s32 $0x1480, s0;
	[sflag:s25] =	ssyncadd.s32 $0xFFFFC000;
	(pc) =	sbr.rel @p1 .LBB2_4-.Ltmp1, $4  }
0xae: {  	[spmem:s2] =	stream.indirect.scatter.add.f32 [tilespmem:s23], [sflag:$0x4], $0x80, s5, s21, $0xb8;
	[tilespmem:$0x1EB00] =	vst v63  }
0xaf: {  	s0 =	smov.u32 s7;
	_ =	swait.ge [sflag:s17], $0x4000  }
0xb0: {  	[sflag:s17] =	ssyncset.done $0x0  }
0xb1: {  	s6 =	smov.u32 s9;
	[sflag:s17] =	ssyncadd.s32 $0xFFFFC000  }
0xb2: {  	[spmem:s3] =	stream.indirect.scatter.add.f32 [tilespmem:s19], [sflag:$0x3], $0x1, s5, s21, $0xb8;
	[tilespmem:$0x1EB00] =	vst v63  }
0xb3: {  	s6 =	sadd.s32 $0x80, s0  }
0xb4: {  	[tilespmem:s23], [sflag:$0x2] =	stream.indirect.gather [hbm4b:s1+s21], $0x80, s6, s21, $0xb8;
	[tilespmem:$0x1EB00] =	vst v63  }
0xb5: {  	_ =	swait.ge [sflag:s24], $0x4000  }
0xb6: {  	[sflag:s24] =	ssyncset.done $0x0  }
0xb7: {  	s7 =	sadd.s32 $0x1400, s0;
	[sflag:s24] =	ssyncadd.s32 $0xFFFFC000  }
0xb8: {  	[spmem:s2] =	stream.indirect.scatter.add.f32 [tilespmem:s22], [sflag:$0x4], $0x80, s7, s21, $0xb8;
	[tilespmem:$0x1EB00] =	vst v63  }
0xb9: {  	_ =	swait.ge [sflag:s17], $0x4000  }
0xba: {  	[sflag:s17] =	ssyncset.done $0x0  }
0xbb: {  	s6 =	sadd.s32 $0x100, s0;
	[sflag:s17] =	ssyncadd.s32 $0xFFFFC000  }
0xbc: {  	[tilespmem:s22], [sflag:$0x1] =	stream.indirect.gather [hbm4b:s1+s21], $0x80, s6, s21, $0xb8;
	[tilespmem:$0x1EB00] =	vst v63  }
0xbd: {  	_ = 	snop  }
0xbe: {  	[spmem:s3] =	stream.indirect.scatter.add.f32 [tilespmem:s19], [sflag:$0x3], $0x1, s7, s21, $0xb8;
	[tilespmem:$0x1EB00] =	vst v63  }
0xbf: {  	_ =	swait.ge [sflag:s25], $0x4000  }
0xc0: {  	[sflag:s25] =	ssyncset.done $0x0  }
0xc1: {  	s9 =	sadd.s32 $0x1480, s0;
	[sflag:s25] =	ssyncadd.s32 $0xFFFFC000  }
0xc2: {  	[spmem:s2] =	stream.indirect.scatter.add.f32 [tilespmem:s23], [sflag:$0x4], $0x80, s9, s21, $0xb8;
	[tilespmem:$0x1EB00] =	vst v63  }
0xc3: {  	_ =	swait.ge [sflag:s17], $0x4000  }
0xc4: {  	[sflag:s17] =	ssyncset.done $0x0  }
0xc5: {  	[sflag:s17] =	ssyncadd.s32 $0xFFFFC000  }
0xc6: {  	[spmem:s3] =	stream.indirect.scatter.add.f32 [tilespmem:s19], [sflag:$0x3], $0x1, s9, s21, $0xb8;
	[tilespmem:$0x1EB00] =	vst v63  }
0xc7: {  	_ = 	snop  }
0xc8: {  	[tilespmem:s23], [sflag:$0x2] =	stream.indirect.gather [hbm4b:s1+s21], $0x80, s26, s21, $0xb8;
	[tilespmem:$0x1EB00] =	vst v63  }
0xc9: {  	_ =	swait.ge [sflag:s24], $0x4000  }
0xca: {  	[sflag:s24] =	ssyncset.done $0x0  }
0xcb: {  	[sflag:s24] =	ssyncadd.s32 $0xFFFFC000  }
0xcc: {  	[spmem:s2] =	stream.indirect.scatter.add.f32 [tilespmem:s22], [sflag:$0x4], $0x80, s28, s21, $0xb8;
	[tilespmem:$0x1EB00] =	vst v63  }
0xcd: {  	_ =	swait.ge [sflag:s17], $0x4000  }
0xce: {  	[sflag:s17] =	ssyncset.done $0x0  }
0xcf: {  	[sflag:s17] =	ssyncadd.s32 $0xFFFFC000  }
0xd0: {  	[spmem:s3] =	stream.indirect.scatter.add.f32 [tilespmem:s19], [sflag:$0x3], $0x1, s28, s21, $0xb8;
	[tilespmem:$0x1EB00] =	vst v63  }
0xd1: {  	_ =	swait.ge [sflag:s25], $0x4000  }
0xd2: {  	[sflag:s25] =	ssyncset.done $0x0  }
0xd3: {  	[sflag:s25] =	ssyncadd.s32 $0xFFFFC000  }
0xd4: {  	[spmem:s2] =	stream.indirect.scatter.add.f32 [tilespmem:s23], [sflag:$0x4], $0x80, s29, s21, $0xb8;
	[tilespmem:$0x1EB00] =	vst v63  }
0xd5: {  	_ =	swait.ge [sflag:s17], $0x4000  }
0xd6: {  	[sflag:s17] =	ssyncset.done $0x0  }
0xd7: {  	[sflag:s17] =	ssyncadd.s32 $0xFFFFC000  }
0xd8: {  	[spmem:s3] =	stream.indirect.scatter.add.f32 [tilespmem:s19], [sflag:$0x3], $0x1, s29, s21, $0xb8;
	[tilespmem:$0x1EB00] =	vst v63  }
0xd9: {  	_ =	swait.ge [sflag:s30], $0x80  }
0xda: {  	s0 =	simm.s32 $0x4F;
	[sflag:s30] =	ssyncset.done $0x0  }
.LBB2_6:
0xdb: {  	p1 =	sne.s32 s0, $0x1;
	s0 =	sadd.s32 $0xFFFFFFFF, s0;
	[sflag:s30] =	ssyncadd.s32 $0xFFFFFF80  }
.Ltmp2:
0xdc: {  	(pc) =	sbr.rel @p1 .LBB2_6-.Ltmp2, $3  }
0xdd: {  	_ =	sdelay $0x1  }
0xde: {  	_ =	swait.ge [sflag:s30], $0x80  }
0xdf: {  	[sflag:s30] =	ssyncset.done $0x0  }
0xe0: {  	[sflag:s30] =	ssyncadd.s32 $0xFFFFFF80  }
0xe1: {  	[bflag:$0x0] =	sbarrier.arrive $0xFFFF  }
0xe2: {  	s0 =	rddreg [dreg:$0x9]  }
0xe3: {  	[hbm:s0], [sflag:s8] =	dma.local [spmem:s16], $0x2800  }
0xe4: {  	s5 =	simm.s32 @!p0 $0x20;
	_ =	swait.ge [sflag:s17], $0x2800  }
0xe5: {  	s6 =	simm.s32 @!p0 $0x10;
	s31 =	sadd.s32 $0x1, s31;
	[sflag:s17] =	ssyncset.done $0x0  }
0xe6: {  	p1 =	sne.s32 s31, s11;
	s0 =	simm.s32 @!p0 $0x1;
	[sflag:s17] =	ssyncadd.s32 $0xFFFFD800  }
0xe7: {  	[hbm:s10@s5], [sflag:s8] =	dma.strided @!p0 [spmem:s18@s6], $0x500, s0, $0x10   }
.Ltmp3:
0xe8: {  	_ = 	snop;
	(pc) =	sbr.rel @p1 .LBB2_1-.Ltmp3, $4  }
0xe9: {  	s0 =	simm.s32 @!p0 $0x4  }
0xea: {  	_ =	swait.ge @!p0 [sflag:s0], $0x500  }
0xeb: {  	[sflag:s0] =	ssyncset.done @!p0 $0x0  }
0xec: {  	[sflag:s0] =	ssyncadd.s32 @!p0 $0xFFFFFB00  }
0xed: {  	_ =	sfence.sel $0x180000  }
0xee: {  	[bflag:$0x0] =	sbarrier.arrive $0xFFFF  }
0xef: {  	_ =	strace $0x90000047  }
0xf0: {  	[bflag:$0x2] =	sbarrier.arrive $0xFFFF  }
0xf1: {  	s0 =	rddreg [dreg:$0x5]  }
0xf2: {  	s0 =	sadd.s32 @!p0 $0x100000, s0  }
0xf3: {  	[sflag:s0] =	ssyncadd.tile.s32 @!p0 $0x1;
	_ =	shalt  }
.Lfunc_end2:
_tile_overlayer_lowered:
.L_overlay_start_2:
0xf4: {  	(tag) =	ssettag $0x2  }
0xf5: {  	s0 =	rddreg [dreg:$0x0];
	s2 =	stileid.u32  }
0xf6: {  	s1 =	rddreg [dreg:$0x1];
	p0 =	sne.s32 s2, $0x0  }
0xf7: {  	s3 =	rddreg [dreg:$0x2];
	[bflag:$0x3] =	sbarrier.arrive $0xFFFF;
	s2 =	simm.s32 @!p0 $0x1C04  }
0xf8: {  	[timem:s3], [sflag:s2] =	dma.local @!p0 [hbm:s0], s1  }
0xf9: {  	s0 =	simm.s32 @!p0 $0x4  }
0xfa: {  	_ =	swait.ge @!p0 [sflag:s0], s1  }
0xfb: {  	s1 =	ssub.s32 @!p0 $0x0, s1;
	[sflag:s0] =	ssyncset.done @!p0 $0x0  }
0xfc: {  	[sflag:s0] =	ssyncadd.s32 @!p0 s1  }
0xfd: {  	[bflag:$0x3] =	sbarrier.arrive $0xFFFF  }
0xfe: {  	_ =	shalt  }

</sc_bundles>
